<compile_context>
chip_gen: v7x
topology: tpu7x:2x2x1
jax: 0.10.2.dev20260603
libtpu: 0.0.44.dev20260713+nightly
codegen_flags: <defaults>
</compile_context>

<pallas_src>
import functools

import jax
import jax.numpy as jnp
from jax import lax
from jax.experimental import pallas as pl
from jax.experimental.pallas import tpu as pltpu
from jax.experimental.pallas import tpu_sc as plsc

_B, _T = 4096, 200
_V, _D = 100000, 32
_NC, _NS, _L = 2, 16, 16
_NW = _NC * _NS
_RPW = _B // _NW


_VB = 16384
_VH = 65536
_NVB = _VH // _VB


def _round_bf16_bits(x):
    bits = jax.lax.bitcast_convert_type(x, jnp.int32)
    return bits + 0x8000


def _table_body(embt_lo_ref, embt_hi_ref, w_ref, b_ref, out_ref):
    w = w_ref[...].T
    s_lo = (jnp.sum(embt_lo_ref[...] * w, axis=0) + b_ref[0, 0]) * (1.0 / _T)
    s_hi = (jnp.sum(embt_hi_ref[...] * w, axis=0) + b_ref[0, 0]) * (1.0 / _T)
    lo = jax.lax.shift_right_logical(_round_bf16_bits(s_lo), 16)
    hi = jnp.bitwise_and(_round_bf16_bits(s_hi), jnp.int32(-65536))
    out_ref[...] = jnp.bitwise_or(hi, lo)


_table_call = pl.pallas_call(
    _table_body,
    grid=(_NVB,),
    in_specs=[
        pl.BlockSpec((_D, _VB), lambda i: (0, i)),
        pl.BlockSpec((_D, _VB), lambda i: (0, jnp.minimum(i + _NVB, (_V - 1) // _VB))),
        pl.BlockSpec((1, _D), lambda i: (0, 0)),
        pl.BlockSpec((1, 1), lambda i: (0, 0)),
    ],
    out_specs=pl.BlockSpec((_VB,), lambda i: (i,)),
    out_shape=jax.ShapeDtypeStruct((_VH,), jnp.int32),
)

_mesh = plsc.VectorSubcoreMesh(
    core_axis_name="c", subcore_axis_name="s", num_cores=_NC, num_subcores=_NS
)


_NG = _RPW // _L


@functools.partial(
    pl.kernel,
    out_type=jax.ShapeDtypeStruct((_B,), jnp.float32),
    mesh=_mesh,
    compiler_params=pltpu.CompilerParams(needs_layout_passes=False),
    scratch_types=[
        pltpu.VMEM((_VH,), jnp.int32),
        pltpu.VMEM((_T, _RPW), jnp.int32),
        pltpu.VMEM((_RPW,), jnp.float32),
        pltpu.SemaphoreType.DMA,
        pltpu.SemaphoreType.DMA,
    ],
)
def _sc_pool(s_hbm, idst_hbm, out_hbm, table_v, ids_v, out_v, sem_t, sem_i):
    wid = lax.axis_index("s") * _NC + lax.axis_index("c")
    col0 = pl.multiple_of(wid * _RPW, 8)
    h_t = pltpu.async_copy(s_hbm, table_v, sem_t)
    h_i = pltpu.async_copy(idst_hbm.at[:, pl.ds(col0, _RPW)], ids_v, sem_i)
    h_i.wait()
    h_t.wait()

    def token_body(t, accs):
        new = []
        for g in range(_NG):
            idx = ids_v[t, pl.ds(g * _L, _L)]
            word = jnp.bitwise_and(idx, jnp.int32(0xFFFF))
            shamt = jnp.bitwise_and(
                jnp.bitwise_not(jax.lax.shift_right_logical(idx, 12)),
                jnp.int32(16),
            )
            val32 = plsc.load_gather(table_v, [word])
            bits = jnp.bitwise_and(
                jax.lax.shift_left(val32, shamt), jnp.int32(-65536)
            )
            new.append(accs[g] + plsc.bitcast(bits, jnp.float32))
        return tuple(new)

    accs = lax.fori_loop(
        0, _T, token_body,
        tuple(jnp.zeros((_L,), jnp.float32) for _ in range(_NG)),
        unroll=2,
    )
    for g in range(_NG):
        out_v[pl.ds(g * _L, _L)] = accs[g]
    pltpu.sync_copy(out_v, out_hbm.at[pl.ds(col0, _RPW)])


def kernel(input_ids, emb, W, b):
    ids_t = input_ids.T.astype(jnp.int32)
    embt = emb.T
    s = _table_call(embt, embt, W.T, b.reshape(1, 1))
    return _sc_pool(s, ids_t)

# --- scband reference (transcript-rebuilt; emitter-appended) ---
"""Pipeline reference for scband-tiny-reward-model-15668040695925 (READ-ONLY COPY).

The authoritative reference and input builder live on the scoring server;
editing this copy changes nothing except your own understanding.
"""

import jax, jax.numpy as jnp
import numpy as np

B, T = 4096, 200
VOCAB, D = 100000, 32

def setup_inputs(seed: int = 0) -> dict:
    key = jax.random.key(seed)
    k1, k2, k3, k4 = jax.random.split(key, 4)
    input_ids = jax.random.randint(k1, (B, T), 0, VOCAB, dtype=jnp.int64) if jax.config.jax_enable_x64 else jax.random.randint(k1, (B, T), 0, VOCAB, dtype=jnp.int32)
    emb = jax.random.normal(k2, (VOCAB, D), dtype=jnp.float32)
    W = jax.random.normal(k3, (D, 1), dtype=jnp.float32) * (1.0 / np.sqrt(D))
    b = jax.random.normal(k4, (1,), dtype=jnp.float32) * 0.01
    return {"input_ids": input_ids, "emb": emb, "W": W, "b": b}

def reference(input_ids, emb, W, b):
    # embedding lookup: [B, T] -> [B, T, D]
    x = jnp.take(emb, input_ids, axis=0)
    # mean over sequence dim -> [B, D]
    x = x.mean(axis=1)
    # linear head -> [B, 1] -> [B]
    out = x @ W + b
    return out[:, 0]

if __name__ == "__main__":
    import jax
    _d = setup_inputs()
    print(jax.jit(kernel)(*tuple(_d.values())))

</pallas_src>

<mosaic_0001>
#map = affine_map<(d0, d1) -> (0)>
#map1 = affine_map<(d0, d1) -> (0, 0)>
module attributes {stable_mosaic.version = 14 : i64} {
  func.func @_sc_pool(%arg0: i32, %arg1: i32, %arg2: memref<65536xi32, #tpu.memory_space<hbm>>, %arg3: memref<200x4096xi32, #tpu.memory_space<hbm>>, %arg4: memref<4096xf32, #tpu.memory_space<hbm>>, %arg5: memref<65536xi32, #tpu.memory_space<vmem>>, %arg6: memref<200x128xi32, #tpu.memory_space<vmem>>, %arg7: memref<128xf32, #tpu.memory_space<vmem>>, %arg8: memref<!tpu.dma_semaphore, #tpu.memory_space<semaphore_mem>>, %arg9: memref<!tpu.dma_semaphore, #tpu.memory_space<semaphore_mem>>) attributes {dimension_semantics = [#tpu.dimension_semantics<core_parallel>, #tpu.dimension_semantics<subcore_parallel>], iteration_bounds = array<i64: 2, 16>, scalar_prefetch = 0 : i64, scratch_operands = 5 : i64, tpu.core_type = #tpu.core_type<sc_vector_subcore>, window_params = [{transform_indices = #map}, {transform_indices = #map1}, {transform_indices = #map}]} {
    %mul3A = arith.constant 2 : i32
    %mul3A_0 = arith.muli %arg1, %mul3A : i32
    %add3A = arith.addi %mul3A_0, %arg0 : i32
    %mul3A_1 = arith.constant 128 : i32
    %mul3A_2 = arith.muli %add3A, %mul3A_1 : i32
    %multiple_of3A = tpu.assume_multiple %mul3A_2, 8 : i32
    tpu.enqueue_dma source(%arg2 : memref<65536xi32, #tpu.memory_space<hbm>>) target(%arg5 : memref<65536xi32, #tpu.memory_space<vmem>>) target_semaphore(%arg8 : memref<!tpu.dma_semaphore, #tpu.memory_space<semaphore_mem>>)
    %dma_start3A = arith.constant 0 : i32
    %dma_start3A_3 = tpu.memref_slice %arg3[%dma_start3A, %multiple_of3A] : memref<200x4096xi32, #tpu.memory_space<hbm>> -> memref<200x128xi32, #tpu.memory_space<hbm>>
    %dma_start3A_4 = arith.constant 0 : i32
    %dma_start3A_5 = tpu.memref_slice %arg3[%dma_start3A_4, %multiple_of3A] : memref<200x4096xi32, #tpu.memory_space<hbm>> -> memref<200x128xi32, #tpu.memory_space<hbm>>
    tpu.enqueue_dma source(%dma_start3A_5 : memref<200x128xi32, #tpu.memory_space<hbm>>) target(%arg6 : memref<200x128xi32, #tpu.memory_space<vmem>>) target_semaphore(%arg9 : memref<!tpu.dma_semaphore, #tpu.memory_space<semaphore_mem>>)
    %dma_wait3A = arith.constant 0 : i32
    %dma_wait3A_6 = tpu.memref_slice %arg3[%dma_wait3A, %multiple_of3A] : memref<200x4096xi32, #tpu.memory_space<hbm>> -> memref<200x128xi32, #tpu.memory_space<hbm>>
    %dma_wait3A_7 = arith.constant 0 : i32
    %dma_wait3A_8 = tpu.memref_slice %arg3[%dma_wait3A_7, %multiple_of3A] : memref<200x4096xi32, #tpu.memory_space<hbm>> -> memref<200x128xi32, #tpu.memory_space<hbm>>
    tpu.wait_dma2 semaphore(%arg9 : memref<!tpu.dma_semaphore, #tpu.memory_space<semaphore_mem>>) src(%dma_wait3A_8 : memref<200x128xi32, #tpu.memory_space<hbm>>) dst(%arg6 : memref<200x128xi32, #tpu.memory_space<vmem>>)
    tpu.wait_dma2 semaphore(%arg8 : memref<!tpu.dma_semaphore, #tpu.memory_space<semaphore_mem>>) src(%arg2 : memref<65536xi32, #tpu.memory_space<hbm>>) dst(%arg5 : memref<65536xi32, #tpu.memory_space<vmem>>)
    %broadcast_in_dim3A = arith.constant 0.000000e+00 : f32
    %broadcast_in_dim3A_9 = vector.broadcast %broadcast_in_dim3A : f32 to vector<16xf32>
    %broadcast_in_dim3A_10 = arith.constant 0.000000e+00 : f32
    %broadcast_in_dim3A_11 = vector.broadcast %broadcast_in_dim3A_10 : f32 to vector<16xf32>
    %broadcast_in_dim3A_12 = arith.constant 0.000000e+00 : f32
    %broadcast_in_dim3A_13 = vector.broadcast %broadcast_in_dim3A_12 : f32 to vector<16xf32>
    %broadcast_in_dim3A_14 = arith.constant 0.000000e+00 : f32
    %broadcast_in_dim3A_15 = vector.broadcast %broadcast_in_dim3A_14 : f32 to vector<16xf32>
    %broadcast_in_dim3A_16 = arith.constant 0.000000e+00 : f32
    %broadcast_in_dim3A_17 = vector.broadcast %broadcast_in_dim3A_16 : f32 to vector<16xf32>
    %broadcast_in_dim3A_18 = arith.constant 0.000000e+00 : f32
    %broadcast_in_dim3A_19 = vector.broadcast %broadcast_in_dim3A_18 : f32 to vector<16xf32>
    %broadcast_in_dim3A_20 = arith.constant 0.000000e+00 : f32
    %broadcast_in_dim3A_21 = vector.broadcast %broadcast_in_dim3A_20 : f32 to vector<16xf32>
    %broadcast_in_dim3A_22 = arith.constant 0.000000e+00 : f32
    %broadcast_in_dim3A_23 = vector.broadcast %broadcast_in_dim3A_22 : f32 to vector<16xf32>
    %scan3A = arith.constant 0 : i32
    %scan3A_24 = arith.constant 200 : i32
    %scan3A_25 = arith.addi %scan3A, %scan3A_24 : i32
    %scan3A_26 = arith.constant 2 : i32
    %scan3A_27:8 = scf.for %scan3A_44 = %scan3A to %scan3A_25 step %scan3A_26 iter_args(%scan3A_45 = %broadcast_in_dim3A_9, %scan3A_46 = %broadcast_in_dim3A_11, %scan3A_47 = %broadcast_in_dim3A_13, %scan3A_48 = %broadcast_in_dim3A_15, %scan3A_49 = %broadcast_in_dim3A_17, %scan3A_50 = %broadcast_in_dim3A_19, %scan3A_51 = %broadcast_in_dim3A_21, %scan3A_52 = %broadcast_in_dim3A_23) -> (vector<16xf32>, vector<16xf32>, vector<16xf32>, vector<16xf32>, vector<16xf32>, vector<16xf32>, vector<16xf32>, vector<16xf32>)  : i32 {
      %get3A = arith.index_cast %scan3A_44 : i32 to index
      %get3A_53 = arith.constant 0 : index
      %get3A_54 = tpu.vector_load %arg6[%get3A, %get3A_53] {strides = array<i32>} : memref<200x128xi32, #tpu.memory_space<vmem>>, vector<16xi32>,
      %and3A = arith.constant 65535 : i32
      %and3A_55 = vector.broadcast %and3A : i32 to vector<16xi32>
      %and3A_56 = arith.andi %get3A_54, %and3A_55 : vector<16xi32>
      %shift_right_logical3A = arith.constant 12 : i32
      %shift_right_logical3A_57 = vector.broadcast %shift_right_logical3A : i32 to vector<16xi32>
      %shift_right_logical3A_58 = arith.shrui %get3A_54, %shift_right_logical3A_57 : vector<16xi32>
      %not3A = arith.constant dense<-1> : vector<16xi32>
      %not3A_59 = arith.xori %shift_right_logical3A_58, %not3A : vector<16xi32>
      %and3A_60 = arith.constant 16 : i32
      %and3A_61 = vector.broadcast %and3A_60 : i32 to vector<16xi32>
      %and3A_62 = arith.andi %not3A_59, %and3A_61 : vector<16xi32>
      %gather3A = tpu.vector_load_idx %arg5[%and3A_56] : memref<65536xi32, #tpu.memory_space<vmem>>[vector<16xi32>], vector<16xi32>,
      %shift_left3A = arith.shli %gather3A, %and3A_62 : vector<16xi32>
      %and3A_63 = arith.constant -65536 : i32
      %and3A_64 = vector.broadcast %and3A_63 : i32 to vector<16xi32>
      %and3A_65 = arith.andi %shift_left3A, %and3A_64 : vector<16xi32>
      %bitcast3A = vector.bitcast %and3A_65 : vector<16xi32> to vector<16xf32>
      %add3A_66 = arith.addf %scan3A_45, %bitcast3A : vector<16xf32>
      %get3A_67 = arith.index_cast %scan3A_44 : i32 to index
      %get3A_68 = arith.constant 16 : index
      %get3A_69 = tpu.vector_load %arg6[%get3A_67, %get3A_68] {strides = array<i32>} : memref<200x128xi32, #tpu.memory_space<vmem>>, vector<16xi32>,
      %and3A_70 = arith.constant 65535 : i32
      %and3A_71 = vector.broadcast %and3A_70 : i32 to vector<16xi32>
      %and3A_72 = arith.andi %get3A_69, %and3A_71 : vector<16xi32>
      %shift_right_logical3A_73 = arith.constant 12 : i32
      %shift_right_logical3A_74 = vector.broadcast %shift_right_logical3A_73 : i32 to vector<16xi32>
      %shift_right_logical3A_75 = arith.shrui %get3A_69, %shift_right_logical3A_74 : vector<16xi32>
      %not3A_76 = arith.constant dense<-1> : vector<16xi32>
      %not3A_77 = arith.xori %shift_right_logical3A_75, %not3A_76 : vector<16xi32>
      %and3A_78 = arith.constant 16 : i32
      %and3A_79 = vector.broadcast %and3A_78 : i32 to vector<16xi32>
      %and3A_80 = arith.andi %not3A_77, %and3A_79 : vector<16xi32>
      %gather3A_81 = tpu.vector_load_idx %arg5[%and3A_72] : memref<65536xi32, #tpu.memory_space<vmem>>[vector<16xi32>], vector<16xi32>,
      %shift_left3A_82 = arith.shli %gather3A_81, %and3A_80 : vector<16xi32>
      %and3A_83 = arith.constant -65536 : i32
      %and3A_84 = vector.broadcast %and3A_83 : i32 to vector<16xi32>
      %and3A_85 = arith.andi %shift_left3A_82, %and3A_84 : vector<16xi32>
      %bitcast3A_86 = vector.bitcast %and3A_85 : vector<16xi32> to vector<16xf32>
      %add3A_87 = arith.addf %scan3A_46, %bitcast3A_86 : vector<16xf32>
      %get3A_88 = arith.index_cast %scan3A_44 : i32 to index
      %get3A_89 = arith.constant 32 : index
      %get3A_90 = tpu.vector_load %arg6[%get3A_88, %get3A_89] {strides = array<i32>} : memref<200x128xi32, #tpu.memory_space<vmem>>, vector<16xi32>,
      %and3A_91 = arith.constant 65535 : i32
      %and3A_92 = vector.broadcast %and3A_91 : i32 to vector<16xi32>
      %and3A_93 = arith.andi %get3A_90, %and3A_92 : vector<16xi32>
      %shift_right_logical3A_94 = arith.constant 12 : i32
      %shift_right_logical3A_95 = vector.broadcast %shift_right_logical3A_94 : i32 to vector<16xi32>
      %shift_right_logical3A_96 = arith.shrui %get3A_90, %shift_right_logical3A_95 : vector<16xi32>
      %not3A_97 = arith.constant dense<-1> : vector<16xi32>
      %not3A_98 = arith.xori %shift_right_logical3A_96, %not3A_97 : vector<16xi32>
      %and3A_99 = arith.constant 16 : i32
      %and3A_100 = vector.broadcast %and3A_99 : i32 to vector<16xi32>
      %and3A_101 = arith.andi %not3A_98, %and3A_100 : vector<16xi32>
      %gather3A_102 = tpu.vector_load_idx %arg5[%and3A_93] : memref<65536xi32, #tpu.memory_space<vmem>>[vector<16xi32>], vector<16xi32>,
      %shift_left3A_103 = arith.shli %gather3A_102, %and3A_101 : vector<16xi32>
      %and3A_104 = arith.constant -65536 : i32
      %and3A_105 = vector.broadcast %and3A_104 : i32 to vector<16xi32>
      %and3A_106 = arith.andi %shift_left3A_103, %and3A_105 : vector<16xi32>
      %bitcast3A_107 = vector.bitcast %and3A_106 : vector<16xi32> to vector<16xf32>
      %add3A_108 = arith.addf %scan3A_47, %bitcast3A_107 : vector<16xf32>
      %get3A_109 = arith.index_cast %scan3A_44 : i32 to index
      %get3A_110 = arith.constant 48 : index
      %get3A_111 = tpu.vector_load %arg6[%get3A_109, %get3A_110] {strides = array<i32>} : memref<200x128xi32, #tpu.memory_space<vmem>>, vector<16xi32>,
      %and3A_112 = arith.constant 65535 : i32
      %and3A_113 = vector.broadcast %and3A_112 : i32 to vector<16xi32>
      %and3A_114 = arith.andi %get3A_111, %and3A_113 : vector<16xi32>
      %shift_right_logical3A_115 = arith.constant 12 : i32
      %shift_right_logical3A_116 = vector.broadcast %shift_right_logical3A_115 : i32 to vector<16xi32>
      %shift_right_logical3A_117 = arith.shrui %get3A_111, %shift_right_logical3A_116 : vector<16xi32>
      %not3A_118 = arith.constant dense<-1> : vector<16xi32>
      %not3A_119 = arith.xori %shift_right_logical3A_117, %not3A_118 : vector<16xi32>
      %and3A_120 = arith.constant 16 : i32
      %and3A_121 = vector.broadcast %and3A_120 : i32 to vector<16xi32>
      %and3A_122 = arith.andi %not3A_119, %and3A_121 : vector<16xi32>
      %gather3A_123 = tpu.vector_load_idx %arg5[%and3A_114] : memref<65536xi32, #tpu.memory_space<vmem>>[vector<16xi32>], vector<16xi32>,
      %shift_left3A_124 = arith.shli %gather3A_123, %and3A_122 : vector<16xi32>
      %and3A_125 = arith.constant -65536 : i32
      %and3A_126 = vector.broadcast %and3A_125 : i32 to vector<16xi32>
      %and3A_127 = arith.andi %shift_left3A_124, %and3A_126 : vector<16xi32>
      %bitcast3A_128 = vector.bitcast %and3A_127 : vector<16xi32> to vector<16xf32>
      %add3A_129 = arith.addf %scan3A_48, %bitcast3A_128 : vector<16xf32>
      %get3A_130 = arith.index_cast %scan3A_44 : i32 to index
      %get3A_131 = arith.constant 64 : index
      %get3A_132 = tpu.vector_load %arg6[%get3A_130, %get3A_131] {strides = array<i32>} : memref<200x128xi32, #tpu.memory_space<vmem>>, vector<16xi32>,
      %and3A_133 = arith.constant 65535 : i32
      %and3A_134 = vector.broadcast %and3A_133 : i32 to vector<16xi32>
      %and3A_135 = arith.andi %get3A_132, %and3A_134 : vector<16xi32>
      %shift_right_logical3A_136 = arith.constant 12 : i32
      %shift_right_logical3A_137 = vector.broadcast %shift_right_logical3A_136 : i32 to vector<16xi32>
      %shift_right_logical3A_138 = arith.shrui %get3A_132, %shift_right_logical3A_137 : vector<16xi32>
      %not3A_139 = arith.constant dense<-1> : vector<16xi32>
      %not3A_140 = arith.xori %shift_right_logical3A_138, %not3A_139 : vector<16xi32>
      %and3A_141 = arith.constant 16 : i32
      %and3A_142 = vector.broadcast %and3A_141 : i32 to vector<16xi32>
      %and3A_143 = arith.andi %not3A_140, %and3A_142 : vector<16xi32>
      %gather3A_144 = tpu.vector_load_idx %arg5[%and3A_135] : memref<65536xi32, #tpu.memory_space<vmem>>[vector<16xi32>], vector<16xi32>,
      %shift_left3A_145 = arith.shli %gather3A_144, %and3A_143 : vector<16xi32>
      %and3A_146 = arith.constant -65536 : i32
      %and3A_147 = vector.broadcast %and3A_146 : i32 to vector<16xi32>
      %and3A_148 = arith.andi %shift_left3A_145, %and3A_147 : vector<16xi32>
      %bitcast3A_149 = vector.bitcast %and3A_148 : vector<16xi32> to vector<16xf32>
      %add3A_150 = arith.addf %scan3A_49, %bitcast3A_149 : vector<16xf32>
      %get3A_151 = arith.index_cast %scan3A_44 : i32 to index
      %get3A_152 = arith.constant 80 : index
      %get3A_153 = tpu.vector_load %arg6[%get3A_151, %get3A_152] {strides = array<i32>} : memref<200x128xi32, #tpu.memory_space<vmem>>, vector<16xi32>,
      %and3A_154 = arith.constant 65535 : i32
      %and3A_155 = vector.broadcast %and3A_154 : i32 to vector<16xi32>
      %and3A_156 = arith.andi %get3A_153, %and3A_155 : vector<16xi32>
      %shift_right_logical3A_157 = arith.constant 12 : i32
      %shift_right_logical3A_158 = vector.broadcast %shift_right_logical3A_157 : i32 to vector<16xi32>
      %shift_right_logical3A_159 = arith.shrui %get3A_153, %shift_right_logical3A_158 : vector<16xi32>
      %not3A_160 = arith.constant dense<-1> : vector<16xi32>
      %not3A_161 = arith.xori %shift_right_logical3A_159, %not3A_160 : vector<16xi32>
      %and3A_162 = arith.constant 16 : i32
      %and3A_163 = vector.broadcast %and3A_162 : i32 to vector<16xi32>
      %and3A_164 = arith.andi %not3A_161, %and3A_163 : vector<16xi32>
      %gather3A_165 = tpu.vector_load_idx %arg5[%and3A_156] : memref<65536xi32, #tpu.memory_space<vmem>>[vector<16xi32>], vector<16xi32>,
      %shift_left3A_166 = arith.shli %gather3A_165, %and3A_164 : vector<16xi32>
      %and3A_167 = arith.constant -65536 : i32
      %and3A_168 = vector.broadcast %and3A_167 : i32 to vector<16xi32>
      %and3A_169 = arith.andi %shift_left3A_166, %and3A_168 : vector<16xi32>
      %bitcast3A_170 = vector.bitcast %and3A_169 : vector<16xi32> to vector<16xf32>
      %add3A_171 = arith.addf %scan3A_50, %bitcast3A_170 : vector<16xf32>
      %get3A_172 = arith.index_cast %scan3A_44 : i32 to index
      %get3A_173 = arith.constant 96 : index
      %get3A_174 = tpu.vector_load %arg6[%get3A_172, %get3A_173] {strides = array<i32>} : memref<200x128xi32, #tpu.memory_space<vmem>>, vector<16xi32>,
      %and3A_175 = arith.constant 65535 : i32
      %and3A_176 = vector.broadcast %and3A_175 : i32 to vector<16xi32>
      %and3A_177 = arith.andi %get3A_174, %and3A_176 : vector<16xi32>
      %shift_right_logical3A_178 = arith.constant 12 : i32
      %shift_right_logical3A_179 = vector.broadcast %shift_right_logical3A_178 : i32 to vector<16xi32>
      %shift_right_logical3A_180 = arith.shrui %get3A_174, %shift_right_logical3A_179 : vector<16xi32>
      %not3A_181 = arith.constant dense<-1> : vector<16xi32>
      %not3A_182 = arith.xori %shift_right_logical3A_180, %not3A_181 : vector<16xi32>
      %and3A_183 = arith.constant 16 : i32
      %and3A_184 = vector.broadcast %and3A_183 : i32 to vector<16xi32>
      %and3A_185 = arith.andi %not3A_182, %and3A_184 : vector<16xi32>
      %gather3A_186 = tpu.vector_load_idx %arg5[%and3A_177] : memref<65536xi32, #tpu.memory_space<vmem>>[vector<16xi32>], vector<16xi32>,
      %shift_left3A_187 = arith.shli %gather3A_186, %and3A_185 : vector<16xi32>
      %and3A_188 = arith.constant -65536 : i32
      %and3A_189 = vector.broadcast %and3A_188 : i32 to vector<16xi32>
      %and3A_190 = arith.andi %shift_left3A_187, %and3A_189 : vector<16xi32>
      %bitcast3A_191 = vector.bitcast %and3A_190 : vector<16xi32> to vector<16xf32>
      %add3A_192 = arith.addf %scan3A_51, %bitcast3A_191 : vector<16xf32>
      %get3A_193 = arith.index_cast %scan3A_44 : i32 to index
      %get3A_194 = arith.constant 112 : index
      %get3A_195 = tpu.vector_load %arg6[%get3A_193, %get3A_194] {strides = array<i32>} : memref<200x128xi32, #tpu.memory_space<vmem>>, vector<16xi32>,
      %and3A_196 = arith.constant 65535 : i32
      %and3A_197 = vector.broadcast %and3A_196 : i32 to vector<16xi32>
      %and3A_198 = arith.andi %get3A_195, %and3A_197 : vector<16xi32>
      %shift_right_logical3A_199 = arith.constant 12 : i32
      %shift_right_logical3A_200 = vector.broadcast %shift_right_logical3A_199 : i32 to vector<16xi32>
      %shift_right_logical3A_201 = arith.shrui %get3A_195, %shift_right_logical3A_200 : vector<16xi32>
      %not3A_202 = arith.constant dense<-1> : vector<16xi32>
      %not3A_203 = arith.xori %shift_right_logical3A_201, %not3A_202 : vector<16xi32>
      %and3A_204 = arith.constant 16 : i32
      %and3A_205 = vector.broadcast %and3A_204 : i32 to vector<16xi32>
      %and3A_206 = arith.andi %not3A_203, %and3A_205 : vector<16xi32>
      %gather3A_207 = tpu.vector_load_idx %arg5[%and3A_198] : memref<65536xi32, #tpu.memory_space<vmem>>[vector<16xi32>], vector<16xi32>,
      %shift_left3A_208 = arith.shli %gather3A_207, %and3A_206 : vector<16xi32>
      %and3A_209 = arith.constant -65536 : i32
      %and3A_210 = vector.broadcast %and3A_209 : i32 to vector<16xi32>
      %and3A_211 = arith.andi %shift_left3A_208, %and3A_210 : vector<16xi32>
      %bitcast3A_212 = vector.bitcast %and3A_211 : vector<16xi32> to vector<16xf32>
      %add3A_213 = arith.addf %scan3A_52, %bitcast3A_212 : vector<16xf32>
      %scan3A_214 = arith.constant 1 : i32
      %scan3A_215 = arith.addi %scan3A_44, %scan3A_214 : i32
      %get3A_216 = arith.index_cast %scan3A_215 : i32 to index
      %get3A_217 = arith.constant 0 : index
      %get3A_218 = tpu.vector_load %arg6[%get3A_216, %get3A_217] {strides = array<i32>} : memref<200x128xi32, #tpu.memory_space<vmem>>, vector<16xi32>,
      %and3A_219 = arith.constant 65535 : i32
      %and3A_220 = vector.broadcast %and3A_219 : i32 to vector<16xi32>
      %and3A_221 = arith.andi %get3A_218, %and3A_220 : vector<16xi32>
      %shift_right_logical3A_222 = arith.constant 12 : i32
      %shift_right_logical3A_223 = vector.broadcast %shift_right_logical3A_222 : i32 to vector<16xi32>
      %shift_right_logical3A_224 = arith.shrui %get3A_218, %shift_right_logical3A_223 : vector<16xi32>
      %not3A_225 = arith.constant dense<-1> : vector<16xi32>
      %not3A_226 = arith.xori %shift_right_logical3A_224, %not3A_225 : vector<16xi32>
      %and3A_227 = arith.constant 16 : i32
      %and3A_228 = vector.broadcast %and3A_227 : i32 to vector<16xi32>
      %and3A_229 = arith.andi %not3A_226, %and3A_228 : vector<16xi32>
      %gather3A_230 = tpu.vector_load_idx %arg5[%and3A_221] : memref<65536xi32, #tpu.memory_space<vmem>>[vector<16xi32>], vector<16xi32>,
      %shift_left3A_231 = arith.shli %gather3A_230, %and3A_229 : vector<16xi32>
      %and3A_232 = arith.constant -65536 : i32
      %and3A_233 = vector.broadcast %and3A_232 : i32 to vector<16xi32>
      %and3A_234 = arith.andi %shift_left3A_231, %and3A_233 : vector<16xi32>
      %bitcast3A_235 = vector.bitcast %and3A_234 : vector<16xi32> to vector<16xf32>
      %add3A_236 = arith.addf %add3A_66, %bitcast3A_235 : vector<16xf32>
      %get3A_237 = arith.index_cast %scan3A_215 : i32 to index
      %get3A_238 = arith.constant 16 : index
      %get3A_239 = tpu.vector_load %arg6[%get3A_237, %get3A_238] {strides = array<i32>} : memref<200x128xi32, #tpu.memory_space<vmem>>, vector<16xi32>,
      %and3A_240 = arith.constant 65535 : i32
      %and3A_241 = vector.broadcast %and3A_240 : i32 to vector<16xi32>
      %and3A_242 = arith.andi %get3A_239, %and3A_241 : vector<16xi32>
      %shift_right_logical3A_243 = arith.constant 12 : i32
      %shift_right_logical3A_244 = vector.broadcast %shift_right_logical3A_243 : i32 to vector<16xi32>
      %shift_right_logical3A_245 = arith.shrui %get3A_239, %shift_right_logical3A_244 : vector<16xi32>
      %not3A_246 = arith.constant dense<-1> : vector<16xi32>
      %not3A_247 = arith.xori %shift_right_logical3A_245, %not3A_246 : vector<16xi32>
      %and3A_248 = arith.constant 16 : i32
      %and3A_249 = vector.broadcast %and3A_248 : i32 to vector<16xi32>
      %and3A_250 = arith.andi %not3A_247, %and3A_249 : vector<16xi32>
      %gather3A_251 = tpu.vector_load_idx %arg5[%and3A_242] : memref<65536xi32, #tpu.memory_space<vmem>>[vector<16xi32>], vector<16xi32>,
      %shift_left3A_252 = arith.shli %gather3A_251, %and3A_250 : vector<16xi32>
      %and3A_253 = arith.constant -65536 : i32
      %and3A_254 = vector.broadcast %and3A_253 : i32 to vector<16xi32>
      %and3A_255 = arith.andi %shift_left3A_252, %and3A_254 : vector<16xi32>
      %bitcast3A_256 = vector.bitcast %and3A_255 : vector<16xi32> to vector<16xf32>
      %add3A_257 = arith.addf %add3A_87, %bitcast3A_256 : vector<16xf32>
      %get3A_258 = arith.index_cast %scan3A_215 : i32 to index
      %get3A_259 = arith.constant 32 : index
      %get3A_260 = tpu.vector_load %arg6[%get3A_258, %get3A_259] {strides = array<i32>} : memref<200x128xi32, #tpu.memory_space<vmem>>, vector<16xi32>,
      %and3A_261 = arith.constant 65535 : i32
      %and3A_262 = vector.broadcast %and3A_261 : i32 to vector<16xi32>
      %and3A_263 = arith.andi %get3A_260, %and3A_262 : vector<16xi32>
      %shift_right_logical3A_264 = arith.constant 12 : i32
      %shift_right_logical3A_265 = vector.broadcast %shift_right_logical3A_264 : i32 to vector<16xi32>
      %shift_right_logical3A_266 = arith.shrui %get3A_260, %shift_right_logical3A_265 : vector<16xi32>
      %not3A_267 = arith.constant dense<-1> : vector<16xi32>
      %not3A_268 = arith.xori %shift_right_logical3A_266, %not3A_267 : vector<16xi32>
      %and3A_269 = arith.constant 16 : i32
      %and3A_270 = vector.broadcast %and3A_269 : i32 to vector<16xi32>
      %and3A_271 = arith.andi %not3A_268, %and3A_270 : vector<16xi32>
      %gather3A_272 = tpu.vector_load_idx %arg5[%and3A_263] : memref<65536xi32, #tpu.memory_space<vmem>>[vector<16xi32>], vector<16xi32>,
      %shift_left3A_273 = arith.shli %gather3A_272, %and3A_271 : vector<16xi32>
      %and3A_274 = arith.constant -65536 : i32
      %and3A_275 = vector.broadcast %and3A_274 : i32 to vector<16xi32>
      %and3A_276 = arith.andi %shift_left3A_273, %and3A_275 : vector<16xi32>
      %bitcast3A_277 = vector.bitcast %and3A_276 : vector<16xi32> to vector<16xf32>
      %add3A_278 = arith.addf %add3A_108, %bitcast3A_277 : vector<16xf32>
      %get3A_279 = arith.index_cast %scan3A_215 : i32 to index
      %get3A_280 = arith.constant 48 : index
      %get3A_281 = tpu.vector_load %arg6[%get3A_279, %get3A_280] {strides = array<i32>} : memref<200x128xi32, #tpu.memory_space<vmem>>, vector<16xi32>,
      %and3A_282 = arith.constant 65535 : i32
      %and3A_283 = vector.broadcast %and3A_282 : i32 to vector<16xi32>
      %and3A_284 = arith.andi %get3A_281, %and3A_283 : vector<16xi32>
      %shift_right_logical3A_285 = arith.constant 12 : i32
      %shift_right_logical3A_286 = vector.broadcast %shift_right_logical3A_285 : i32 to vector<16xi32>
      %shift_right_logical3A_287 = arith.shrui %get3A_281, %shift_right_logical3A_286 : vector<16xi32>
      %not3A_288 = arith.constant dense<-1> : vector<16xi32>
      %not3A_289 = arith.xori %shift_right_logical3A_287, %not3A_288 : vector<16xi32>
      %and3A_290 = arith.constant 16 : i32
      %and3A_291 = vector.broadcast %and3A_290 : i32 to vector<16xi32>
      %and3A_292 = arith.andi %not3A_289, %and3A_291 : vector<16xi32>
      %gather3A_293 = tpu.vector_load_idx %arg5[%and3A_284] : memref<65536xi32, #tpu.memory_space<vmem>>[vector<16xi32>], vector<16xi32>,
      %shift_left3A_294 = arith.shli %gather3A_293, %and3A_292 : vector<16xi32>
      %and3A_295 = arith.constant -65536 : i32
      %and3A_296 = vector.broadcast %and3A_295 : i32 to vector<16xi32>
      %and3A_297 = arith.andi %shift_left3A_294, %and3A_296 : vector<16xi32>
      %bitcast3A_298 = vector.bitcast %and3A_297 : vector<16xi32> to vector<16xf32>
      %add3A_299 = arith.addf %add3A_129, %bitcast3A_298 : vector<16xf32>
      %get3A_300 = arith.index_cast %scan3A_215 : i32 to index
      %get3A_301 = arith.constant 64 : index
      %get3A_302 = tpu.vector_load %arg6[%get3A_300, %get3A_301] {strides = array<i32>} : memref<200x128xi32, #tpu.memory_space<vmem>>, vector<16xi32>,
      %and3A_303 = arith.constant 65535 : i32
      %and3A_304 = vector.broadcast %and3A_303 : i32 to vector<16xi32>
      %and3A_305 = arith.andi %get3A_302, %and3A_304 : vector<16xi32>
      %shift_right_logical3A_306 = arith.constant 12 : i32
      %shift_right_logical3A_307 = vector.broadcast %shift_right_logical3A_306 : i32 to vector<16xi32>
      %shift_right_logical3A_308 = arith.shrui %get3A_302, %shift_right_logical3A_307 : vector<16xi32>
      %not3A_309 = arith.constant dense<-1> : vector<16xi32>
      %not3A_310 = arith.xori %shift_right_logical3A_308, %not3A_309 : vector<16xi32>
      %and3A_311 = arith.constant 16 : i32
      %and3A_312 = vector.broadcast %and3A_311 : i32 to vector<16xi32>
      %and3A_313 = arith.andi %not3A_310, %and3A_312 : vector<16xi32>
      %gather3A_314 = tpu.vector_load_idx %arg5[%and3A_305] : memref<65536xi32, #tpu.memory_space<vmem>>[vector<16xi32>], vector<16xi32>,
      %shift_left3A_315 = arith.shli %gather3A_314, %and3A_313 : vector<16xi32>
      %and3A_316 = arith.constant -65536 : i32
      %and3A_317 = vector.broadcast %and3A_316 : i32 to vector<16xi32>
      %and3A_318 = arith.andi %shift_left3A_315, %and3A_317 : vector<16xi32>
      %bitcast3A_319 = vector.bitcast %and3A_318 : vector<16xi32> to vector<16xf32>
      %add3A_320 = arith.addf %add3A_150, %bitcast3A_319 : vector<16xf32>
      %get3A_321 = arith.index_cast %scan3A_215 : i32 to index
      %get3A_322 = arith.constant 80 : index
      %get3A_323 = tpu.vector_load %arg6[%get3A_321, %get3A_322] {strides = array<i32>} : memref<200x128xi32, #tpu.memory_space<vmem>>, vector<16xi32>,
      %and3A_324 = arith.constant 65535 : i32
      %and3A_325 = vector.broadcast %and3A_324 : i32 to vector<16xi32>
      %and3A_326 = arith.andi %get3A_323, %and3A_325 : vector<16xi32>
      %shift_right_logical3A_327 = arith.constant 12 : i32
      %shift_right_logical3A_328 = vector.broadcast %shift_right_logical3A_327 : i32 to vector<16xi32>
      %shift_right_logical3A_329 = arith.shrui %get3A_323, %shift_right_logical3A_328 : vector<16xi32>
      %not3A_330 = arith.constant dense<-1> : vector<16xi32>
      %not3A_331 = arith.xori %shift_right_logical3A_329, %not3A_330 : vector<16xi32>
      %and3A_332 = arith.constant 16 : i32
      %and3A_333 = vector.broadcast %and3A_332 : i32 to vector<16xi32>
      %and3A_334 = arith.andi %not3A_331, %and3A_333 : vector<16xi32>
      %gather3A_335 = tpu.vector_load_idx %arg5[%and3A_326] : memref<65536xi32, #tpu.memory_space<vmem>>[vector<16xi32>], vector<16xi32>,
      %shift_left3A_336 = arith.shli %gather3A_335, %and3A_334 : vector<16xi32>
      %and3A_337 = arith.constant -65536 : i32
      %and3A_338 = vector.broadcast %and3A_337 : i32 to vector<16xi32>
      %and3A_339 = arith.andi %shift_left3A_336, %and3A_338 : vector<16xi32>
      %bitcast3A_340 = vector.bitcast %and3A_339 : vector<16xi32> to vector<16xf32>
      %add3A_341 = arith.addf %add3A_171, %bitcast3A_340 : vector<16xf32>
      %get3A_342 = arith.index_cast %scan3A_215 : i32 to index
      %get3A_343 = arith.constant 96 : index
      %get3A_344 = tpu.vector_load %arg6[%get3A_342, %get3A_343] {strides = array<i32>} : memref<200x128xi32, #tpu.memory_space<vmem>>, vector<16xi32>,
      %and3A_345 = arith.constant 65535 : i32
      %and3A_346 = vector.broadcast %and3A_345 : i32 to vector<16xi32>
      %and3A_347 = arith.andi %get3A_344, %and3A_346 : vector<16xi32>
      %shift_right_logical3A_348 = arith.constant 12 : i32
      %shift_right_logical3A_349 = vector.broadcast %shift_right_logical3A_348 : i32 to vector<16xi32>
      %shift_right_logical3A_350 = arith.shrui %get3A_344, %shift_right_logical3A_349 : vector<16xi32>
      %not3A_351 = arith.constant dense<-1> : vector<16xi32>
      %not3A_352 = arith.xori %shift_right_logical3A_350, %not3A_351 : vector<16xi32>
      %and3A_353 = arith.constant 16 : i32
      %and3A_354 = vector.broadcast %and3A_353 : i32 to vector<16xi32>
      %and3A_355 = arith.andi %not3A_352, %and3A_354 : vector<16xi32>
      %gather3A_356 = tpu.vector_load_idx %arg5[%and3A_347] : memref<65536xi32, #tpu.memory_space<vmem>>[vector<16xi32>], vector<16xi32>,
      %shift_left3A_357 = arith.shli %gather3A_356, %and3A_355 : vector<16xi32>
      %and3A_358 = arith.constant -65536 : i32
      %and3A_359 = vector.broadcast %and3A_358 : i32 to vector<16xi32>
      %and3A_360 = arith.andi %shift_left3A_357, %and3A_359 : vector<16xi32>
      %bitcast3A_361 = vector.bitcast %and3A_360 : vector<16xi32> to vector<16xf32>
      %add3A_362 = arith.addf %add3A_192, %bitcast3A_361 : vector<16xf32>
      %get3A_363 = arith.index_cast %scan3A_215 : i32 to index
      %get3A_364 = arith.constant 112 : index
      %get3A_365 = tpu.vector_load %arg6[%get3A_363, %get3A_364] {strides = array<i32>} : memref<200x128xi32, #tpu.memory_space<vmem>>, vector<16xi32>,
      %and3A_366 = arith.constant 65535 : i32
      %and3A_367 = vector.broadcast %and3A_366 : i32 to vector<16xi32>
      %and3A_368 = arith.andi %get3A_365, %and3A_367 : vector<16xi32>
      %shift_right_logical3A_369 = arith.constant 12 : i32
      %shift_right_logical3A_370 = vector.broadcast %shift_right_logical3A_369 : i32 to vector<16xi32>
      %shift_right_logical3A_371 = arith.shrui %get3A_365, %shift_right_logical3A_370 : vector<16xi32>
      %not3A_372 = arith.constant dense<-1> : vector<16xi32>
      %not3A_373 = arith.xori %shift_right_logical3A_371, %not3A_372 : vector<16xi32>
      %and3A_374 = arith.constant 16 : i32
      %and3A_375 = vector.broadcast %and3A_374 : i32 to vector<16xi32>
      %and3A_376 = arith.andi %not3A_373, %and3A_375 : vector<16xi32>
      %gather3A_377 = tpu.vector_load_idx %arg5[%and3A_368] : memref<65536xi32, #tpu.memory_space<vmem>>[vector<16xi32>], vector<16xi32>,
      %shift_left3A_378 = arith.shli %gather3A_377, %and3A_376 : vector<16xi32>
      %and3A_379 = arith.constant -65536 : i32
      %and3A_380 = vector.broadcast %and3A_379 : i32 to vector<16xi32>
      %and3A_381 = arith.andi %shift_left3A_378, %and3A_380 : vector<16xi32>
      %bitcast3A_382 = vector.bitcast %and3A_381 : vector<16xi32> to vector<16xf32>
      %add3A_383 = arith.addf %add3A_213, %bitcast3A_382 : vector<16xf32>
      scf.yield %add3A_236, %add3A_257, %add3A_278, %add3A_299, %add3A_320, %add3A_341, %add3A_362, %add3A_383 : vector<16xf32>, vector<16xf32>, vector<16xf32>, vector<16xf32>, vector<16xf32>, vector<16xf32>, vector<16xf32>, vector<16xf32>
    }
    %scan3A_28 = arith.constant 200 : i32
    %swap3A = arith.constant 0 : index
    %swap3A_29 = tpu.vector_load %arg7[%swap3A] {strides = array<i32>} : memref<128xf32, #tpu.memory_space<vmem>>, vector<16xf32>,
    tpu.vector_store %arg7[%swap3A], %scan3A_27#0 {strides = array<i32>} : memref<128xf32, #tpu.memory_space<vmem>>, vector<16xf32>,
    %swap3A_30 = arith.constant 16 : index
    %swap3A_31 = tpu.vector_load %arg7[%swap3A_30] {strides = array<i32>} : memref<128xf32, #tpu.memory_space<vmem>>, vector<16xf32>,
    tpu.vector_store %arg7[%swap3A_30], %scan3A_27#1 {strides = array<i32>} : memref<128xf32, #tpu.memory_space<vmem>>, vector<16xf32>,
    %swap3A_32 = arith.constant 32 : index
    %swap3A_33 = tpu.vector_load %arg7[%swap3A_32] {strides = array<i32>} : memref<128xf32, #tpu.memory_space<vmem>>, vector<16xf32>,
    tpu.vector_store %arg7[%swap3A_32], %scan3A_27#2 {strides = array<i32>} : memref<128xf32, #tpu.memory_space<vmem>>, vector<16xf32>,
    %swap3A_34 = arith.constant 48 : index
    %swap3A_35 = tpu.vector_load %arg7[%swap3A_34] {strides = array<i32>} : memref<128xf32, #tpu.memory_space<vmem>>, vector<16xf32>,
    tpu.vector_store %arg7[%swap3A_34], %scan3A_27#3 {strides = array<i32>} : memref<128xf32, #tpu.memory_space<vmem>>, vector<16xf32>,
    %swap3A_36 = arith.constant 64 : index
    %swap3A_37 = tpu.vector_load %arg7[%swap3A_36] {strides = array<i32>} : memref<128xf32, #tpu.memory_space<vmem>>, vector<16xf32>,
    tpu.vector_store %arg7[%swap3A_36], %scan3A_27#4 {strides = array<i32>} : memref<128xf32, #tpu.memory_space<vmem>>, vector<16xf32>,
    %swap3A_38 = arith.constant 80 : index
    %swap3A_39 = tpu.vector_load %arg7[%swap3A_38] {strides = array<i32>} : memref<128xf32, #tpu.memory_space<vmem>>, vector<16xf32>,
    tpu.vector_store %arg7[%swap3A_38], %scan3A_27#5 {strides = array<i32>} : memref<128xf32, #tpu.memory_space<vmem>>, vector<16xf32>,
    %swap3A_40 = arith.constant 96 : index
    %swap3A_41 = tpu.vector_load %arg7[%swap3A_40] {strides = array<i32>} : memref<128xf32, #tpu.memory_space<vmem>>, vector<16xf32>,
    tpu.vector_store %arg7[%swap3A_40], %scan3A_27#6 {strides = array<i32>} : memref<128xf32, #tpu.memory_space<vmem>>, vector<16xf32>,
    %swap3A_42 = arith.constant 112 : index
    %swap3A_43 = tpu.vector_load %arg7[%swap3A_42] {strides = array<i32>} : memref<128xf32, #tpu.memory_space<vmem>>, vector<16xf32>,
    tpu.vector_store %arg7[%swap3A_42], %scan3A_27#7 {strides = array<i32>} : memref<128xf32, #tpu.memory_space<vmem>>, vector<16xf32>,
    "tpu.region"() ({
      %run_scoped3A = tpu.sem_alloc : memref<!tpu.dma_semaphore, #tpu.memory_space<semaphore_mem>>
      %dma_start3A_44 = tpu.memref_slice %arg4[%multiple_of3A] : memref<4096xf32, #tpu.memory_space<hbm>> -> memref<128xf32, #tpu.memory_space<hbm>>
      %dma_start3A_45 = tpu.memref_slice %arg4[%multiple_of3A] : memref<4096xf32, #tpu.memory_space<hbm>> -> memref<128xf32, #tpu.memory_space<hbm>>
      tpu.enqueue_dma source(%arg7 : memref<128xf32, #tpu.memory_space<vmem>>) target(%dma_start3A_45 : memref<128xf32, #tpu.memory_space<hbm>>) target_semaphore(%run_scoped3A : memref<!tpu.dma_semaphore, #tpu.memory_space<semaphore_mem>>)
      %dma_wait3A_46 = tpu.memref_slice %arg4[%multiple_of3A] : memref<4096xf32, #tpu.memory_space<hbm>> -> memref<128xf32, #tpu.memory_space<hbm>>
      %dma_wait3A_47 = tpu.memref_slice %arg4[%multiple_of3A] : memref<4096xf32, #tpu.memory_space<hbm>> -> memref<128xf32, #tpu.memory_space<hbm>>
      tpu.wait_dma2 semaphore(%run_scoped3A : memref<!tpu.dma_semaphore, #tpu.memory_space<semaphore_mem>>) src(%arg7 : memref<128xf32, #tpu.memory_space<vmem>>) dst(%dma_wait3A_47 : memref<128xf32, #tpu.memory_space<hbm>>)
      tpu.yield
    }) : () -> ()
    return
  }
}

module attributes {stable_mosaic.version = 14 : i64} {
  func.func @_table_body(%arg0: i32, %arg1: memref<32x16384xf32, #tpu.memory_space<vmem>>, %arg2: memref<32x16384xf32, #tpu.memory_space<vmem>>, %arg3: memref<1x32xf32, #tpu.memory_space<vmem>>, %arg4: memref<1x1xf32, #tpu.memory_space<vmem>>, %arg5: memref<16384xi32, #tpu.memory_space<vmem>>) attributes {dimension_semantics = [#tpu.dimension_semantics<arbitrary>], iteration_bounds = array<i64: 4>, scalar_prefetch = 0 : i64, scratch_operands = 0 : i64, tpu.core_type = #tpu.core_type<tc>, window_params = [{transform_indices = @transform_0, window_bounds = array<i64: 32, 16384>}, {transform_indices = @transform_1, window_bounds = array<i64: 32, 16384>}, {pipeline_mode = #tpu.pipeline_mode<synchronous>, transform_indices = @transform_2, window_bounds = array<i64: 1, 32>}, {pipeline_mode = #tpu.pipeline_mode<synchronous>, transform_indices = @transform_3, window_bounds = array<i64: 1, 1>}, {transform_indices = @transform_4, window_bounds = array<i64: 16384>}]} {
    %get3A = arith.constant 0 : index
    %get3A_0 = arith.constant 0 : index
    %get3A_1 = vector.load %arg3[%get3A, %get3A_0] : memref<1x32xf32, #tpu.memory_space<vmem>>, vector<1x32xf32>
    %transpose3A = tpu.transpose %get3A_1, [1, 0] : vector<1x32xf32> -> vector<32x1xf32>
    %get3A_2 = arith.constant 0 : index
    %get3A_3 = arith.constant 0 : index
    %get3A_4 = vector.load %arg1[%get3A_2, %get3A_3] : memref<32x16384xf32, #tpu.memory_space<vmem>>, vector<32x16384xf32>
    %mul3A = vector.broadcast %transpose3A : vector<32x1xf32> to vector<32x16384xf32>
    %mul3A_5 = arith.mulf %get3A_4, %mul3A : vector<32x16384xf32>
    %reduce_sum3A = arith.constant dense<0.000000e+00> : vector<16384xf32>
    %reduce_sum3A_6 = vector.multi_reduction <add>, %mul3A_5, %reduce_sum3A [0] : vector<32x16384xf32> to vector<16384xf32>
    %get3A_7 = arith.constant 0 : index
    %get3A_8 = arith.constant 0 : index
    %get3A_9 = vector.load %arg4[%get3A_7, %get3A_8] : memref<1x1xf32, #tpu.memory_space<vmem>>, vector<1x1xf32>
    %get3A_10 = vector.extract %get3A_9[0, 0] : f32 from vector<1x1xf32>
    %add3A = vector.broadcast %get3A_10 : f32 to vector<16384xf32>
    %add3A_11 = arith.addf %reduce_sum3A_6, %add3A : vector<16384xf32>
    %mul3A_12 = arith.constant 5.000000e-03 : f32
    %mul3A_13 = vector.broadcast %mul3A_12 : f32 to vector<16384xf32>
    %mul3A_14 = arith.mulf %add3A_11, %mul3A_13 : vector<16384xf32>
    %get3A_15 = arith.constant 0 : index
    %get3A_16 = arith.constant 0 : index
    %get3A_17 = vector.load %arg2[%get3A_15, %get3A_16] : memref<32x16384xf32, #tpu.memory_space<vmem>>, vector<32x16384xf32>
    %mul3A_18 = vector.broadcast %transpose3A : vector<32x1xf32> to vector<32x16384xf32>
    %mul3A_19 = arith.mulf %get3A_17, %mul3A_18 : vector<32x16384xf32>
    %reduce_sum3A_20 = arith.constant dense<0.000000e+00> : vector<16384xf32>
    %reduce_sum3A_21 = vector.multi_reduction <add>, %mul3A_19, %reduce_sum3A_20 [0] : vector<32x16384xf32> to vector<16384xf32>
    %get3A_22 = arith.constant 0 : index
    %get3A_23 = arith.constant 0 : index
    %get3A_24 = vector.load %arg4[%get3A_22, %get3A_23] : memref<1x1xf32, #tpu.memory_space<vmem>>, vector<1x1xf32>
    %get3A_25 = vector.extract %get3A_24[0, 0] : f32 from vector<1x1xf32>
    %add3A_26 = vector.broadcast %get3A_25 : f32 to vector<16384xf32>
    %add3A_27 = arith.addf %reduce_sum3A_21, %add3A_26 : vector<16384xf32>
    %mul3A_28 = arith.constant 5.000000e-03 : f32
    %mul3A_29 = vector.broadcast %mul3A_28 : f32 to vector<16384xf32>
    %mul3A_30 = arith.mulf %add3A_27, %mul3A_29 : vector<16384xf32>
    %bitcast_convert_type3A = tpu.bitcast %mul3A_14 : vector<16384xf32> -> vector<16384xi32>
    %add3A_31 = arith.constant 32768 : i32
    %add3A_32 = vector.broadcast %add3A_31 : i32 to vector<16384xi32>
    %add3A_33 = arith.addi %bitcast_convert_type3A, %add3A_32 : vector<16384xi32>
    %shift_right_logical3A = arith.constant 16 : i32
    %shift_right_logical3A_34 = vector.broadcast %shift_right_logical3A : i32 to vector<16384xi32>
    %shift_right_logical3A_35 = arith.shrui %add3A_33, %shift_right_logical3A_34 : vector<16384xi32>
    %bitcast_convert_type3A_36 = tpu.bitcast %mul3A_30 : vector<16384xf32> -> vector<16384xi32>
    %add3A_37 = arith.constant 32768 : i32
    %add3A_38 = vector.broadcast %add3A_37 : i32 to vector<16384xi32>
    %add3A_39 = arith.addi %bitcast_convert_type3A_36, %add3A_38 : vector<16384xi32>
    %and3A = arith.constant -65536 : i32
    %and3A_40 = vector.broadcast %and3A : i32 to vector<16384xi32>
    %and3A_41 = arith.andi %add3A_39, %and3A_40 : vector<16384xi32>
    %or3A = arith.ori %and3A_41, %shift_right_logical3A_35 : vector<16384xi32>
    %swap3A = arith.constant 0 : index
    %swap3A_42 = vector.load %arg5[%swap3A] : memref<16384xi32, #tpu.memory_space<vmem>>, vector<16384xi32>
    tpu.vector_store %arg5[%swap3A], %or3A {strides = array<i32>} : memref<16384xi32, #tpu.memory_space<vmem>>, vector<16384xi32>,
    return
  }
  func.func @transform_0(%arg0: i32) -> (i32, i32) {
    %c0_i32 = arith.constant 0 : i32
    %c0_i32_0 = arith.constant 0 : i32
    return %c0_i32, %arg0 : i32, i32
  }
  func.func @transform_1(%arg0: i32) -> (i32, i32) {
    %add3A = arith.constant 4 : i32
    %add3A_0 = arith.addi %arg0, %add3A : i32
    %min3A = arith.constant 6 : i32
    %min3A_1 = arith.minsi %add3A_0, %min3A : i32
    %c0_i32 = arith.constant 0 : i32
    %c0_i32_2 = arith.constant 0 : i32
    return %c0_i32, %min3A_1 : i32, i32
  }
  func.func @transform_2(%arg0: i32) -> (i32, i32) {
    %c0_i32 = arith.constant 0 : i32
    %c0_i32_0 = arith.constant 0 : i32
    %c0_i32_1 = arith.constant 0 : i32
    return %c0_i32, %c0_i32_0 : i32, i32
  }
  func.func @transform_3(%arg0: i32) -> (i32, i32) {
    %c0_i32 = arith.constant 0 : i32
    %c0_i32_0 = arith.constant 0 : i32
    %c0_i32_1 = arith.constant 0 : i32
    return %c0_i32, %c0_i32_0 : i32, i32
  }
  func.func @transform_4(%arg0: i32) -> i32 {
    %c0_i32 = arith.constant 0 : i32
    return %arg0 : i32
  }
}

</mosaic_0001>

<sc_bundles>
// kernel: kernel.4.cloned.1.call-start
scs
__scs_entry_jumppad:
0x0: {  	(pc) =	sbr.rel $0x88, $3  }
0x1: {  	(tag) =	ssettag $0x0;
	lr =	simm.s32 $0x1  }
0x2: {  	[smem:$0x3F9D] =	sst lr;
	_ =	strace $0xD0000000  }
0x3: {  	_ = 	snop  }
0x4: {  	_ = 	snop  }
0x5: {  	_ = 	snop  }
0x6: {  	_ = 	snop  }
0x7: {  	_ = 	snop  }
__scs_overlays_trampoline_lowered:
0x8: {  	[smem:$0x3FAC] =	sst s0  }
0x9: {  	[smem:$0x3FAD] =	sst s1  }
0xa: {  	[smem:$0x3FAE] =	sst s2  }
0xb: {  	[smem:$0x3FAF] =	sst s3  }
0xc: {  	[smem:$0x3FB0] =	sst s4  }
0xd: {  	[smem:$0x3FB1] =	sst s5  }
0xe: {  	[smem:$0x3FB2] =	sst s6  }
0xf: {  	[smem:$0x3FB3] =	sst s7  }
0x10: {  	[smem:$0x3FB4] =	sst s8  }
0x11: {  	[smem:$0x3FB5] =	sst s9;
	s0 =	simm.s32 @!p0 $0x0  }
0x12: {  	s1 =	sld [smem:$0x3F9B];
	s0 =	simm.s32 @p0 $0x1  }
0x13: {  	[smem:$0x3FB6] =	sst s0;
	s0 =	simm.s32 @!p1 $0x0  }
0x14: {  	s2 =	sld [smem:$0x3F9A];
	s0 =	simm.s32 @p1 $0x1  }
0x15: {  	[smem:$0x3FB7] =	sst s0;
	s0 =	simm.s32 @!p2 $0x0  }
0x16: {  	s3 =	sld [smem:$0x3FDB];
	s0 =	simm.s32 @p2 $0x1  }
0x17: {  	s4 =	simm.s32 $0x1BF5;
	[smem:$0x3FB9] =	sst s0  }
0x18: {  	s0 =	sld [smem:$0x3F9C];
	_ =	swait.ge [sflag:s4], $0x0  }
0x19: {  	s7 =	sld [smem:$0x3F9D]  }
0x1a: {  	s8 =	sadd.s32 $0xFFFFE003, lr  }
0x1b: {  	s9 =	sadd.s32 $0xFFFFFEF7, lr;
	s5 =	simm.s32 $0xFFFFFFFF;
	p2 =	slt.u32 s8, $0xFFFFF086  }
0x1c: {  	p1 =	slt.u32 s9, $0xF7A;
	s5 =	simm.s32 @!p2 $0x0  }
0x1d: {  	s5 =	simm.s32 @p1 $0x1;
	p0 =	seq.s32 s7, s2  }
0x1e: {  	s7 =	smul.u32 @!p0 $0xF7A, s2;
	p2 =	seq.s32 @!p0 s5, $0x0  }
0x1f: {  	s9 =	smul.u32 $0xF7A, s1;
	s8 =	simm.s32 @!p0 $0x1BF5;
	p2 =	por !p2, p0  }
0x20: {  	[sflag:s8] =	ssyncset.s32 @!p0 $0xFFFFF086;
	s6 =	sadd.s32 @!p0 s3, s7;
	s7 =	simm.s32 @!p0 $0x108  }
0x21: {  	s3 =	sadd.s32 s3, s9;
	s6 =	sadd.s32 @!p0 $0x88, s6;
	s7 =	simm.s32 @p2 $0x1082  }
0x22: {  	[simem:s7], [sflag:s8] =	dma.local @!p0 [hbm:s6], $0xF7A  }
0x23: {  	s9 =	sor.u32 $0xD0000000, s2;
	s6 =	simm.s32 $0x108;
	_ =	swait.ge @!p0 [sflag:s8], $0x0  }
0x24: {  	s3 =	sadd.s32 $0x88, s3;
	s6 =	simm.s32 @!p1 $0x1082;
	[sflag:s4] =	ssyncset.s32 $0xFFFFF086  }
0x25: {  	[simem:s6], [sflag:s4] =	dma.local [hbm:s3], $0xF7A  }
0x26: {  	[smem:$0x3F9D] =	sst s1;
	(tag) =	ssettag s2;
	_ =	strace s9  }
0x27: {  	s1 =	sld [smem:$0x3FAD]  }
0x28: {  	s2 =	sld [smem:$0x3FAE]  }
0x29: {  	s4 =	sld [smem:$0x3FB0]  }
0x2a: {  	p0 =	seq.s32 s5, $0x0;
	s5 =	sld [smem:$0x3FB1]  }
0x2b: {  	s6 =	sld [smem:$0x3FB2]  }
0x2c: {  	s7 =	sld [smem:$0x3FB3]  }
0x2d: {  	s3 =	simm.s32 $0x108;
	s8 =	sld [smem:$0x3FB4]  }
0x2e: {  	s3 =	simm.s32 @!p0 $0x1082;
	s9 =	sld [smem:$0x3FB5]  }
0x2f: {  	lr =	sadd.s32 s0, s3;
	s0 =	sld [smem:$0x3FAC]  }
0x30: {  	s3 =	sld [smem:$0x3FAF]  }
0x31: {  	[smem:$0x3FB8] =	sst s10  }
0x32: {  	s10 =	sld [smem:$0x3FB6];
	_ =	sdelay $0x3  }
0x33: {  	p0 =	seq.s32 s10, $0x1;
	s10 =	sld [smem:$0x3FB8];
	_ =	sdelay $0x3  }
0x34: {  	[smem:$0x3FB8] =	sst s10  }
0x35: {  	s10 =	sld [smem:$0x3FB7];
	_ =	sdelay $0x3  }
0x36: {  	p1 =	seq.s32 s10, $0x1;
	s10 =	sld [smem:$0x3FB8];
	_ =	sdelay $0x3  }
0x37: {  	[smem:$0x3FB8] =	sst s10  }
0x38: {  	s10 =	sld [smem:$0x3FB9]  }
0x39: {  	_ = 	snop;
	(pc) =	sbr.ind lr, $3  }
0x3a: {  	_ = 	snop  }
0x3b: {  	_ = 	snop  }
0x3c: {  	p2 =	seq.s32 s10, $0x1;
	s10 =	sld [smem:$0x3FB8]  }
0x3d: {  	_ =	shalt  }
0x3e: {  	_ =	shalt  }
0x3f: {  	_ =	shalt  }
0x40: {  	_ =	shalt  }
0x41: {  	_ =	shalt  }
0x42: {  	_ =	shalt  }
0x43: {  	_ =	shalt  }
0x44: {  	_ =	shalt  }
0x45: {  	_ =	shalt  }
0x46: {  	_ =	shalt  }
0x47: {  	_ =	shalt  }
0x48: {  	_ =	shalt  }
0x49: {  	_ =	shalt  }
0x4a: {  	_ =	shalt  }
0x4b: {  	_ =	shalt  }
0x4c: {  	_ =	shalt  }
0x4d: {  	_ =	shalt  }
0x4e: {  	_ =	shalt  }
0x4f: {  	_ =	shalt  }
0x50: {  	_ =	shalt  }
0x51: {  	_ =	shalt  }
0x52: {  	_ =	shalt  }
0x53: {  	_ =	shalt  }
0x54: {  	_ =	shalt  }
0x55: {  	_ =	shalt  }
0x56: {  	_ =	shalt  }
0x57: {  	_ =	shalt  }
0x58: {  	_ =	shalt  }
0x59: {  	_ =	shalt  }
0x5a: {  	_ =	shalt  }
0x5b: {  	_ =	shalt  }
0x5c: {  	_ =	shalt  }
0x5d: {  	_ =	shalt  }
0x5e: {  	_ =	shalt  }
0x5f: {  	_ =	shalt  }
0x60: {  	_ =	shalt  }
0x61: {  	_ =	shalt  }
0x62: {  	_ =	shalt  }
0x63: {  	_ =	shalt  }
0x64: {  	_ =	shalt  }
0x65: {  	_ =	shalt  }
0x66: {  	_ =	shalt  }
0x67: {  	_ =	shalt  }
0x68: {  	_ =	shalt  }
0x69: {  	_ =	shalt  }
0x6a: {  	_ =	shalt  }
0x6b: {  	_ =	shalt  }
0x6c: {  	_ =	shalt  }
0x6d: {  	_ =	shalt  }
0x6e: {  	_ =	shalt  }
0x6f: {  	_ =	shalt  }
0x70: {  	_ =	shalt  }
0x71: {  	_ =	shalt  }
0x72: {  	_ =	shalt  }
0x73: {  	_ =	shalt  }
0x74: {  	_ =	shalt  }
0x75: {  	_ =	shalt  }
0x76: {  	_ =	shalt  }
0x77: {  	_ =	shalt  }
0x78: {  	_ =	shalt  }
0x79: {  	_ =	shalt  }
0x7a: {  	_ =	shalt  }
0x7b: {  	_ =	shalt  }
0x7c: {  	_ =	shalt  }
0x7d: {  	_ =	shalt  }
0x7e: {  	_ =	shalt  }
0x7f: {  	_ =	shalt  }
0x80: {  	_ =	shalt  }
0x81: {  	_ =	shalt  }
0x82: {  	_ =	shalt  }
0x83: {  	_ =	shalt  }
0x84: {  	_ =	shalt  }
0x85: {  	_ =	shalt  }
0x86: {  	_ =	shalt  }
0x87: {  	_ =	shalt  }
.Lfunc_end0:
.L_simem_size_0:
called_computation_lowered:
.L_overlay_start_0:
0x88: {  	s2 =	sld [smem:$0x3FD9]  }
0x89: {  	s3 =	sld [smem:$0x3FFE];
	_ =	sdelay $0x1  }
0x8a: {  	s1 =	srdreg.scid  }
0x8b: {  	s0 =	sand.u32 $0x1, s1  }
0x8c: {  	s17 =	sshll.u32 s0, $0xA;
	s2 =	sadd.s32 s3, s2  }
0x8d: {  	s2 =	sadd.s32 s2, s17  }
0x8e: {  	[smem:$0x3FC4] =	sst s2  }
0x8f: {  	_ = 	snop  }
0x90: {  	s2 =	sld [smem:$0x3FC9]  }
0x91: {  	s18 =	sld [smem:$0x3FD0];
	(tm) =	ssettm $0x1  }
0x92: {  	s4 =	sld [smem:$0x3FFB];
	_ =	sdelay $0x3  }
0x93: {  	_ =	strace s4  }
0x94: {  	s4 =	sld [smem:$0x3FFC];
	_ =	sdelay $0x3  }
0x95: {  	_ =	strace s4  }
0x96: {  	s4 =	sld [smem:$0x3FFD];
	_ =	sdelay $0x3  }
0x97: {  	_ =	strace s4  }
0x98: {  	_ =	strace $0x8FFFFFFF  }
0x99: {  	s19 =	sld [smem:$0x3FDB];
	_ =	sdelay $0x1  }
0x9a: {  	s5 =	simm.s32 $_scs_section_size  }
0x9b: {  	s6 =	simm.s32 $_size__tile_overlayer_lowered;
	s7 =	simm.s32 $_tile_overlayer_lowered  }
0x9c: {  	s22 =	simm.s32 $0x1BFF;
	s21 =	sshll.u32 s7, $0x1;
	s4 =	sadd.s32 s5, s19  }
0x9d: {  	s8 =	simm.s32 $0x0;
	s20 =	sshll.u32 s6, $0x1;
	s6 =	sadd.s32 s21, s4  }
0x9e: {  	[timem:s8], [sflag:s22] =	dma.local [hbm:s6], s20  }
0x9f: {  	_ =	swait.ge [sflag:s22], s20  }
0xa0: {  	s5 =	ssub.s32 $0x0, s20;
	[sflag:s22] =	ssyncset.done $0x0  }
0xa1: {  	[sflag:s22] =	ssyncadd.s32 s5;
	_ =	sdelay $0x1  }
0xa2: {  	s23 =	simm.s32 $0x1B8B  }
0xa3: {  	_ =	swait.ge [sflag:s23], $0x1  }
0xa4: {  	[sflag:s23] =	ssyncset.done $0x0  }
0xa5: {  	s25 =	simm.s32 $0x1B8E;
	s24 =	sld [smem:$0x3FFE];
	[sflag:s23] =	ssyncadd.s32 $0xFFFFFFFF  }
0xa6: {  	s26 =	simm.s32 $execute0_lowered;
	[smem:$0x3FD2] =	sst s25  }
0xa7: {  	s6 =	sshll.u32 s26, $0x1;
	_ =	strace $0x80000046;
	[dreg:$0x1] =	wrdreg $0xFFFFFFFF  }
0xa8: {  	s28 =	simm.s32 $_size_execute0_lowered;
	s4 =	sadd.s32 s4, s6;
	[dreg:$0x0] =	wrdreg $0x0  }
0xa9: {  	s6 =	sshll.u32 s28, $0x1;
	[dreg:$0x2] =	wrdreg s4  }
0xaa: {  	[dreg:$0x3] =	wrdreg s6  }
0xab: {  	[dreg:$0x4] =	wrdreg $0xC0  }
0xac: {  	_ =	task [dreg:s8], $0x5FFFF  }
0xad: {  	[dreg:$0x1] =	wrdreg $0xFFFFFFFF  }
0xae: {  	[dreg:$0x0] =	wrdreg $0x60  }
0xaf: {  	[dreg:$0x2] =	wrdreg s24  }
0xb0: {  	[dreg:$0x3] =	wrdreg s2  }
0xb1: {  	[dreg:$0x4] =	wrdreg s18  }
0xb2: {  	[dreg:$0x5] =	wrdreg $0x9  }
0xb3: {  	_ =	task.clear_ibuf [dreg:s8], $0x6FFFF;
	_ =	strace $0x90000046  }
0xb4: {  	s29 =	simm.s32 $0x9;
	_ =	strace $0x80000048  }
0xb5: {  	_ =	swait.ge [sflag:s29], $0x1  }
0xb6: {  	[sflag:s29] =	ssyncadd.s32 $0xFFFFFFFF  }
0xb7: {  	_ =	strace $0x90000048  }
0xb8: {  	_ =	sfence  }
0xb9: {  	s30 =	sld [smem:$0x0];
	_ =	sdelay $0x2  }
0xba: {  	s31 =	sshll.u32 s1, $0xD;
	s1 =	sshrl.u32 s1, $0x2  }
0xbb: {  	s3 =	sand.u32 $0x4000, s31;
	s1 =	sadd.s32 s1, s30  }
0xbc: {  	s0 =	sor.u32 s3, s0;
	s1 =	sshll.u32 s1, $0x11  }
0xbd: {  	s0 =	sor.u32 s1, s0  }
0xbe: {  	s0 =	sadd.s32 $0x8F2B, s0  }
0xbf: {  	[sflag:s0] =	ssyncadd.remote.s32 $0x1  }
0xc0: {  	_ =	sfence.sel $0xFFFF  }
0xc1: {  	[dreg:$0x0] =	wrdreg $0xFFFFFFFF;
	(pc) =	sbr.abs _section_cstart, $3  }
0xc2: {  	[dreg:$0x1] =	wrdreg $0xFFFFFFFF  }
0xc3: {  	_ =	task.clear_ibuf [dreg:s8], $0x2FFFF;
	_ =	strace $0x9FFFFFFF  }
0xc4: {  	(tm) =	ssettm $0x7FFFFFFF  }
0xc5: {  	_ =	shalt  }
tec
execute0_lowered:
.L_overlay_start_1:
0x0: {  	(tag) =	ssettag $0x1  }
0x1: {  	s3 =	rddreg [dreg:$0x0]  }
0x2: {  	s4 =	rddreg [dreg:$0x1]  }
0x3: {  	s5 =	rddreg [dreg:$0x2]  }
0x4: {  	s0 =	rddreg [dreg:$0x3];
	s2 =	simm.s32 $0x0  }
0x5: {  	s6 =	srdreg.scid;
	s1 =	stileid.u32;
	s10 =	simm.s32 $0x2  }
0x6: {  	s11 =	simm.s32 $0x1;
	s12 =	simm.s32 $0x16400;
	s13 =	simm.s32 $0x3  }
0x7: {  	s14 =	simm.s32 $0x0;
	[smem:$0x7FF] =	sst s2;
	s6 =	sand.u32 $0x1, s6  }
0x8: {  	s7 =	sshll.u32 s1, $0x1;
	s3 =	sadd.s32 $0xA00, s3;
	s8 =	ssub.s32 $0x2, s6  }
0x9: {  	_ =	strace $0x80000047;
	s6 =	sor.u32 s6, s7;
	s31 =	sshrl.u32 s8, $0x1  }
0xa: {  	s9 =	sshll.u32 s6, $0x7;
	s6 =	sshll.u32 s6, $0x4;
	s7 =	ssub.s32 s8, s31  }
0xb: {  	s4 =	sadd.s32 s4, s9;
	s5 =	sadd.s32 s5, s6;
	s8 =	simm.s32 $0x8000  }
0xc: {  	s9 =	simm.s32 $0x10000;
	s6 =	smax.u32 s7, $0x1;
	s7 =	simm.s32 $0x400  }
.LBB2_1:
0xd: {  	[tilespmem:s2], [sflag:$0x1] =	stream.linear.gather [hbm4b:s3+s2], $0x10000, $0x38;
	[tilespmem:$0x16480] =	vst v63  }
0xe: {  	_ = 	snop  }
0xf: {  	[tilespmem:s9], [sflag:$0x2] =	stream.strided.gather [hbm4b:s4+s7], $0x6400, s8, s7, $0x38;
	[tilespmem:$0x16480] =	vst v63  }
0x10: {  	_ =	swait.ge [sflag:s10], $0x6400  }
0x11: {  	[sflag:s10] =	ssyncset.done $0x0  }
0x12: {  	[sflag:s10] =	ssyncadd.s32 $0xFFFF9C00  }
0x13: {  	_ =	swait.ge [sflag:s11], $0x10000  }
0x14: {  	[sflag:s11] =	ssyncset.done $0x0  }
0x15: {  	s15 =	simm.s32 $0x10080;
	[sflag:s11] =	ssyncadd.s32 $0xFFFF0000  }
0x16: {  	v1 =	vld [tilespmem:s15+$0x0]  }
0x17: {  	v2 =	vld [tilespmem:s15+$0x10]  }
0x18: {  	v3 =	vld [tilespmem:s15+$0x20]  }
0x19: {  	v4 =	vld [tilespmem:s15+$0x30]  }
0x1a: {  	v5 =	vld [tilespmem:s15+$0x40]  }
0x1b: {  	v6 =	vld [tilespmem:s15+$0x50]  }
0x1c: {  	v7 =	vld [tilespmem:s15+$0x60]  }
0x1d: {  	v8 =	vld [tilespmem:s15+$0x70]  }
0x1e: {  	v9 =	vld [tilespmem:s15+$0xFFFFFF80]  }
0x1f: {  	v10 =	vld [tilespmem:s15+$0xFFFFFF90]  }
0x20: {  	v11 =	vld [tilespmem:s15+$0xFFFFFFA0]  }
0x21: {  	v0 =	vimm.f32 $0.0e+00;
	v12 =	vld [tilespmem:s15+$0xFFFFFFB0]  }
0x22: {  	v13 =	vld [tilespmem:s15+$0xFFFFFFC0];
	v14 =	vxor.u32 $0xFFFFFFFF, v1;
	v1 =	vand.u32 $0xFFFF, v1;
	v15 =	vxor.u32 $0xFFFFFFFF, v2  }
0x23: {  	v16 =	vld [tilespmem:s15+$0xFFFFFFD0];
	v2 =	vand.u32 $0xFFFF, v2;
	v17 =	vxor.u32 $0xFFFFFFFF, v3;
	v3 =	vand.u32 $0xFFFF, v3  }
0x24: {  	v18 =	vld [tilespmem:s15+$0xFFFFFFE0];
	v19 =	vxor.u32 $0xFFFFFFFF, v4;
	v20 =	vxor.u32 $0xFFFFFFFF, v5;
	v4 =	vand.u32 $0xFFFF, v4  }
0x25: {  	v21 =	vld [tilespmem:s15+$0xFFFFFFF0];
	v22 =	vxor.u32 $0xFFFFFFFF, v6;
	v23 =	vxor.u32 $0xFFFFFFFF, v7;
	v24 =	vxor.u32 $0xFFFFFFFF, v9  }
0x26: {  	v5 =	vand.u32 $0xFFFF, v5;
	v25 =	vxor.u32 $0xFFFFFFFF, v8;
	v26 =	vxor.u32 $0xFFFFFFFF, v10  }
0x27: {  	v27 =	vxor.u32 $0xFFFFFFFF, v11;
	v6 =	vand.u32 $0xFFFF, v6;
	v28 =	vxor.u32 $0xFFFFFFFF, v12  }
0x28: {  	v29 =	vxor.u32 $0xFFFFFFFF, v13;
	v7 =	vand.u32 $0xFFFF, v7;
	v30 =	vxor.u32 $0xFFFFFFFF, v16  }
0x29: {  	v31 =	vxor.u32 $0xFFFFFFFF, v18;
	v8 =	vand.u32 $0xFFFF, v8;
	v9 =	vand.u32 $0xFFFF, v9  }
0x2a: {  	v10 =	vand.u32 $0xFFFF, v10;
	v32 =	vxor.u32 $0xFFFFFFFF, v21;
	v11 =	vand.u32 $0xFFFF, v11;
	v1 =	vld.idx.msk [tilespmem:v1+s2+$0x0], $0xffff  }
0x2b: {  	v12 =	vand.u32 $0xFFFF, v12;
	v13 =	vand.u32 $0xFFFF, v13;
	v33 =	vand.u32 $0xFFFF, v16;
	v2 =	vld.idx.msk [tilespmem:v2+s2+$0x0], $0xffff  }
0x2c: {  	v34 =	vand.u32 $0xFFFF, v18;
	v35 =	vand.u32 $0xFFFF, v21;
	v14 =	vshrl.u32 v14, $0xC;
	v3 =	vld.idx.msk [tilespmem:v3+s2+$0x0], $0xffff  }
0x2d: {  	v15 =	vshrl.u32 v15, $0xC;
	v16 =	vshrl.u32 v17, $0xC;
	v17 =	vshrl.u32 v19, $0xC;
	v4 =	vld.idx.msk [tilespmem:v4+s2+$0x0], $0xffff  }
0x2e: {  	v18 =	vshrl.u32 v20, $0xC;
	v19 =	vshrl.u32 v22, $0xC;
	v20 =	vshrl.u32 v24, $0xC;
	v5 =	vld.idx.msk [tilespmem:v5+s2+$0x0], $0xffff  }
0x2f: {  	v21 =	vshrl.u32 v23, $0xC;
	v22 =	vshrl.u32 v25, $0xC;
	v23 =	vshrl.u32 v26, $0xC;
	v6 =	vld.idx.msk [tilespmem:v6+s2+$0x0], $0xffff  }
0x30: {  	v24 =	vshrl.u32 v27, $0xC;
	v25 =	vshrl.u32 v28, $0xC;
	v26 =	vshrl.u32 v29, $0xC;
	v7 =	vld.idx.msk [tilespmem:v7+s2+$0x0], $0xffff  }
0x31: {  	v27 =	vshrl.u32 v30, $0xC;
	v59 =	vshrl.u32 v31, $0xC;
	v60 =	vshrl.u32 v32, $0xC;
	v61 =	vld.idx.msk [tilespmem:v9+s2+$0x0], $0xffff  }
0x32: {  	v62 =	vand.u32 $0x10, v16;
	v17 =	vand.u32 $0x10, v17;
	v63 =	vand.u32 $0x10, v18;
	v10 =	vld.idx.msk [tilespmem:v10+s2+$0x0], $0xffff  }
0x33: {  	v36 =	vand.u32 $0x10, v19;
	v38 =	vand.u32 $0x10, v21;
	v39 =	vand.u32 $0x10, v22;
	v40 =	vld.idx.msk [tilespmem:v12+s2+$0x0], $0xffff  }
0x34: {  	v22 =	vand.u32 $0x10, v20;
	v41 =	vand.u32 $0x10, v23;
	v24 =	vand.u32 $0x10, v24;
	v42 =	vld.idx.msk [tilespmem:v13+s2+$0x0], $0xffff  }
0x35: {  	v25 =	vand.u32 $0x10, v25;
	v26 =	vand.u32 $0x10, v26;
	v20 =	vand.u32 $0x10, v59;
	v8 =	vld.idx.msk [tilespmem:v8+s2+$0x0], $0xffff  }
0x36: {  	v21 =	vand.u32 $0x10, v60;
	v9 =	vand.u32 $0x10, v14;
	v14 =	vand.u32 $0x10, v15;
	v37 =	vld.idx.msk [tilespmem:v11+s2+$0x0], $0xffff  }
0x37: {  	v15 =	vand.u32 $0x10, v27;
	v16 =	vshll.u32 v1, v9;
	v12 =	vshll.u32 v4, v17;
	v17 =	vld.idx.msk [tilespmem:v33+s2+$0x0], $0xffff  }
0x38: {  	v18 =	vshll.u32 v2, v14;
	v19 =	vshll.u32 v3, v62;
	v14 =	vshll.u32 v40, v25;
	v25 =	vld.idx.msk [tilespmem:v34+s2+$0x0], $0xffff  }
0x39: {  	v23 =	vshll.u32 v61, v22;
	v22 =	vshll.u32 v10, v41;
	v10 =	vshll.u32 v42, v26;
	v26 =	vld.idx.msk [tilespmem:v35+s2+$0x0], $0xffff  }
0x3a: {  	v13 =	vshll.u32 v5, v63;
	v11 =	vshll.u32 v6, v36;
	v9 =	vshll.u32 v7, v38  }
0x3b: {  	v8 =	vshll.u32 v8, v39;
	v24 =	vshll.u32 v37, v24;
	v6 =	vimm.f32 $0.0e+00  }
0x3c: {  	v7 =	vimm.f32 $0.0e+00;
	v5 =	vimm.f32 $0.0e+00;
	v3 =	vimm.f32 $0.0e+00  }
0x3d: {  	s16 =	simm.s32 $0x10180;
	s15 =	simm.s32 $0x0;
	v4 =	vimm.f32 $0.0e+00;
	v2 =	vimm.f32 $0.0e+00;
	v1 =	vimm.f32 $0.0e+00  }
.LBB2_2:
0x3e: {  	v27 =	vld [tilespmem:s16+$0x0];
	v15 =	vshll.u32 v17, v15;
	v17 =	vshll.u32 v25, v20;
	v20 =	vshll.u32 v26, v21  }
0x3f: {  	v16 =	vand.u32 $0xFFFF0000, v16;
	v18 =	vand.u32 $0xFFFF0000, v18;
	v19 =	vand.u32 $0xFFFF0000, v19;
	v21 =	vld [tilespmem:s16+$0x10]  }
0x40: {  	v12 =	vand.u32 $0xFFFF0000, v12;
	v13 =	vand.u32 $0xFFFF0000, v13;
	v11 =	vand.u32 $0xFFFF0000, v11;
	v25 =	vld [tilespmem:s16+$0x20]  }
0x41: {  	v23 =	vand.u32 $0xFFFF0000, v23;
	v22 =	vand.u32 $0xFFFF0000, v22;
	v24 =	vand.u32 $0xFFFF0000, v24;
	v26 =	vld [tilespmem:s16+$0x30]  }
0x42: {  	v14 =	vand.u32 $0xFFFF0000, v14;
	v0 =	vadd.f32 v23, v0;
	v6 =	vadd.f32 v22, v6;
	v28 =	vld [tilespmem:s16+$0x40]  }
0x43: {  	v10 =	vand.u32 $0xFFFF0000, v10;
	v7 =	vadd.f32 v24, v7;
	v5 =	vadd.f32 v14, v5;
	v22 =	vld [tilespmem:s16+$0x50]  }
0x44: {  	v15 =	vand.u32 $0xFFFF0000, v15;
	v0 =	vadd.f32 v16, v0;
	v6 =	vadd.f32 v18, v6;
	v14 =	vld [tilespmem:s16+$0x60]  }
0x45: {  	v17 =	vand.u32 $0xFFFF0000, v17;
	v7 =	vadd.f32 v19, v7;
	v5 =	vadd.f32 v12, v5;
	v16 =	vld [tilespmem:s16+$0x70]  }
0x46: {  	v3 =	vadd.f32 v10, v3;
	v10 =	vand.u32 $0xFFFF0000, v20;
	v4 =	vadd.f32 v15, v4;
	v12 =	vld [tilespmem:s16+$0xFFFFFF80]  }
0x47: {  	v9 =	vand.u32 $0xFFFF0000, v9;
	v2 =	vadd.f32 v17, v2;
	v1 =	vadd.f32 v10, v1;
	v15 =	vld [tilespmem:s16+$0xFFFFFF90]  }
0x48: {  	v8 =	vand.u32 $0xFFFF0000, v8;
	v3 =	vadd.f32 v13, v3;
	v4 =	vadd.f32 v11, v4;
	v10 =	vld [tilespmem:s16+$0xFFFFFFA0]  }
0x49: {  	v2 =	vadd.f32 v9, v2;
	v1 =	vadd.f32 v8, v1;
	v11 =	vld [tilespmem:s16+$0xFFFFFFB0]  }
0x4a: {  	v9 =	vxor.u32 $0xFFFFFFFF, v27;
	v13 =	vand.u32 $0xFFFF, v27;
	v8 =	vld [tilespmem:s16+$0xFFFFFFC0]  }
0x4b: {  	v18 =	vxor.u32 $0xFFFFFFFF, v21;
	v19 =	vand.u32 $0xFFFF, v21;
	v20 =	vxor.u32 $0xFFFFFFFF, v25;
	v17 =	vld [tilespmem:s16+$0xFFFFFFD0]  }
0x4c: {  	v23 =	vand.u32 $0xFFFF, v25;
	v24 =	vxor.u32 $0xFFFFFFFF, v26;
	v25 =	vxor.u32 $0xFFFFFFFF, v28;
	v21 =	vld [tilespmem:s16+$0xFFFFFFE0]  }
0x4d: {  	v26 =	vand.u32 $0xFFFF, v26;
	v29 =	vxor.u32 $0xFFFFFFFF, v22;
	v30 =	vxor.u32 $0xFFFFFFFF, v14;
	v27 =	vld [tilespmem:s16+$0xFFFFFFF0]  }
0x4e: {  	v28 =	vand.u32 $0xFFFF, v28;
	v32 =	vxor.u32 $0xFFFFFFFF, v16;
	v31 =	vxor.u32 $0xFFFFFFFF, v12  }
0x4f: {  	v22 =	vand.u32 $0xFFFF, v22;
	v33 =	vxor.u32 $0xFFFFFFFF, v15;
	v34 =	vxor.u32 $0xFFFFFFFF, v10;
	v13 =	vld.idx.msk [tilespmem:v13+s2+$0x0], $0xffff  }
0x50: {  	v14 =	vand.u32 $0xFFFF, v14;
	v35 =	vxor.u32 $0xFFFFFFFF, v11;
	v36 =	vxor.u32 $0xFFFFFFFF, v8;
	v19 =	vld.idx.msk [tilespmem:v19+s2+$0x0], $0xffff  }
0x51: {  	v16 =	vand.u32 $0xFFFF, v16;
	v37 =	vxor.u32 $0xFFFFFFFF, v17;
	v38 =	vxor.u32 $0xFFFFFFFF, v21;
	v23 =	vld.idx.msk [tilespmem:v23+s2+$0x0], $0xffff  }
0x52: {  	v12 =	vand.u32 $0xFFFF, v12;
	v15 =	vand.u32 $0xFFFF, v15;
	v39 =	vxor.u32 $0xFFFFFFFF, v27;
	v40 =	vld.idx.msk [tilespmem:v26+s2+$0x0], $0xffff  }
0x53: {  	v10 =	vand.u32 $0xFFFF, v10;
	v11 =	vand.u32 $0xFFFF, v11;
	v8 =	vand.u32 $0xFFFF, v8;
	v28 =	vld.idx.msk [tilespmem:v28+s2+$0x0], $0xffff  }
0x54: {  	v17 =	vand.u32 $0xFFFF, v17;
	v21 =	vand.u32 $0xFFFF, v21;
	v26 =	vand.u32 $0xFFFF, v27;
	v22 =	vld.idx.msk [tilespmem:v22+s2+$0x0], $0xffff  }
0x55: {  	v9 =	vshrl.u32 v9, $0xC;
	v18 =	vshrl.u32 v18, $0xC;
	v20 =	vshrl.u32 v20, $0xC;
	v14 =	vld.idx.msk [tilespmem:v14+s2+$0x0], $0xffff  }
0x56: {  	v24 =	vshrl.u32 v24, $0xC;
	v25 =	vshrl.u32 v25, $0xC;
	v27 =	vshrl.u32 v29, $0xC;
	v29 =	vld.idx.msk [tilespmem:v16+s2+$0x0], $0xffff  }
0x57: {  	v16 =	vshrl.u32 v31, $0xC;
	v31 =	vld.idx.msk [tilespmem:v12+s2+$0x0], $0xffff;
	v12 =	vshrl.u32 v30, $0xC;
	v30 =	vshrl.u32 v32, $0xC  }
0x58: {  	v32 =	vshrl.u32 v33, $0xC;
	v33 =	vld.idx.msk [tilespmem:v15+s2+$0x0], $0xffff;
	v15 =	vshrl.u32 v34, $0xC;
	v34 =	vshrl.u32 v35, $0xC  }
0x59: {  	v35 =	vshrl.u32 v36, $0xC;
	v36 =	vshrl.u32 v37, $0xC;
	v37 =	vshrl.u32 v38, $0xC;
	v10 =	vld.idx.msk [tilespmem:v10+s2+$0x0], $0xffff  }
0x5a: {  	v9 =	vand.u32 $0x10, v9;
	v18 =	vand.u32 $0x10, v18;
	v38 =	vld.idx.msk [tilespmem:v11+s2+$0x0], $0xffff;
	v11 =	vshrl.u32 v39, $0xC  }
0x5b: {  	s15 =	sadd.s32 $0x2, s15;
	v24 =	vand.u32 $0x10, v24;
	v41 =	vand.u32 $0x10, v25;
	v39 =	vld.idx.msk [tilespmem:v8+s2+$0x0], $0xffff;
	v8 =	vand.u32 $0x10, v20  }
0x5c: {  	p0 =	slt.u32 s15, $0xC6;
	v27 =	vand.u32 $0x10, v27;
	v42 =	vand.u32 $0x10, v12;
	v30 =	vand.u32 $0x10, v30;
	v17 =	vld.idx.msk [tilespmem:v17+s2+$0x0], $0xffff  }
0x5d: {  	v43 =	vand.u32 $0x10, v16;
	v32 =	vand.u32 $0x10, v32;
	v44 =	vand.u32 $0x10, v15;
	v25 =	vld.idx.msk [tilespmem:v21+s2+$0x0], $0xffff  }
0x5e: {  	v34 =	vand.u32 $0x10, v34;
	v35 =	vand.u32 $0x10, v35;
	v15 =	vand.u32 $0x10, v36;
	v26 =	vld.idx.msk [tilespmem:v26+s2+$0x0], $0xffff  }
.Ltmp0:
0x5f: {  	v16 =	vshll.u32 v13, v9;
	v20 =	vand.u32 $0x10, v37;
	v21 =	vand.u32 $0x10, v11;
	(pc) =	sbr.rel @p0 .LBB2_2-.Ltmp0, $4  }
0x60: {  	v18 =	vshll.u32 v19, v18;
	v12 =	vshll.u32 v40, v24;
	v19 =	vshll.u32 v23, v8  }
0x61: {  	v13 =	vshll.u32 v28, v41;
	v9 =	vshll.u32 v14, v42;
	v11 =	vshll.u32 v22, v27  }
0x62: {  	v23 =	vshll.u32 v31, v43;
	v8 =	vshll.u32 v29, v30;
	v22 =	vshll.u32 v33, v32  }
0x63: {  	s16 =	sadd.s32 $0x100, s16;
	v24 =	vshll.u32 v10, v44;
	v14 =	vshll.u32 v38, v34;
	v10 =	vshll.u32 v39, v35  }
0x64: {  	v15 =	vshll.u32 v17, v15;
	v54 =	vshll.u32 v25, v20  }
0x65: {  	v55 =	vshll.u32 v26, v21;
	v16 =	vand.u32 $0xFFFF0000, v16;
	v18 =	vand.u32 $0xFFFF0000, v18  }
0x66: {  	v19 =	vand.u32 $0xFFFF0000, v19;
	v12 =	vand.u32 $0xFFFF0000, v12;
	v56 =	vand.u32 $0xFFFF0000, v23  }
0x67: {  	v13 =	vand.u32 $0xFFFF0000, v13;
	v22 =	vand.u32 $0xFFFF0000, v22;
	v0 =	vadd.f32 v56, v0  }
0x68: {  	v11 =	vand.u32 $0xFFFF0000, v11;
	v57 =	vand.u32 $0xFFFF0000, v24;
	v6 =	vadd.f32 v22, v6  }
0x69: {  	v14 =	vand.u32 $0xFFFF0000, v14;
	v7 =	vadd.f32 v57, v7;
	v0 =	vadd.f32 v16, v0  }
0x6a: {  	v10 =	vand.u32 $0xFFFF0000, v10;
	v5 =	vadd.f32 v14, v5;
	v6 =	vadd.f32 v18, v6  }
0x6b: {  	v58 =	vand.u32 $0xFFFF0000, v15;
	v3 =	vadd.f32 v10, v3;
	v7 =	vadd.f32 v19, v7;
	[tilespmem:$0x16400] =	vst v0  }
0x6c: {  	v60 =	vand.u32 $0xFFFF0000, v55;
	v4 =	vadd.f32 v58, v4;
	v5 =	vadd.f32 v12, v5;
	[tilespmem:$0x16410] =	vst v6  }
0x6d: {  	v59 =	vand.u32 $0xFFFF0000, v54;
	v1 =	vadd.f32 v60, v1;
	v61 =	vadd.f32 v13, v3;
	[tilespmem:$0x16420] =	vst v7  }
0x6e: {  	v63 =	vand.u32 $0xFFFF0000, v8;
	v4 =	vadd.f32 v11, v4;
	v0 =	vadd.f32 v59, v2;
	[tilespmem:$0x16430] =	vst v5  }
0x6f: {  	v62 =	vand.u32 $0xFFFF0000, v9;
	v1 =	vadd.f32 v63, v1;
	[tilespmem:$0x16440] =	vst v61  }
0x70: {  	s14 =	sadd.s32 $0x1, s14;
	[tilespmem:$0x16450] =	vst v4;
	v0 =	vadd.f32 v62, v0  }
0x71: {  	p0 =	sne.s32 s14, s6;
	[tilespmem:$0x16470] =	vst v1  }
.Ltmp1:
0x72: {  	[tilespmem:$0x16460] =	vst v0;
	(pc) =	sbr.rel @p0 .LBB2_1-.Ltmp1, $4  }
0x73: {  	[hbm4b:s5+s2] =	stream.linear.scatter [tilespmem:s12], [sflag:$0x3], $0x80, $0x38;
	[tilespmem:$0x16480] =	vst v63  }
0x74: {  	_ =	swait.ge [sflag:s13], $0x80  }
0x75: {  	[sflag:s13] =	ssyncset.done $0x0  }
0x76: {  	[sflag:s13] =	ssyncadd.s32 $0xFFFFFF80  }
0x77: {  	_ =	sfence.sel $0x180000  }
0x78: {  	[bflag:$0x0] =	sbarrier.arrive $0xFFFF  }
0x79: {  	p0 =	sne.s32 s1, $0x0;
	_ =	strace $0x90000047  }
0x7a: {  	s0 =	sadd.s32 @!p0 $0x100000, s0;
	[bflag:$0x2] =	sbarrier.arrive $0xFFFF  }
0x7b: {  	[sflag:s0] =	ssyncadd.tile.s32 @!p0 $0x1;
	_ =	shalt  }
.Lfunc_end2:
_tile_overlayer_lowered:
.L_overlay_start_2:
0x7c: {  	(tag) =	ssettag $0x2  }
0x7d: {  	s0 =	rddreg [dreg:$0x0];
	s2 =	stileid.u32  }
0x7e: {  	s1 =	rddreg [dreg:$0x1];
	p0 =	sne.s32 s2, $0x0  }
0x7f: {  	s3 =	rddreg [dreg:$0x2];
	[bflag:$0x3] =	sbarrier.arrive $0xFFFF;
	s2 =	simm.s32 @!p0 $0x1C03  }
0x80: {  	[timem:s3], [sflag:s2] =	dma.local @!p0 [hbm:s0], s1  }
0x81: {  	s0 =	simm.s32 @!p0 $0x3  }
0x82: {  	_ =	swait.ge @!p0 [sflag:s0], s1  }
0x83: {  	s1 =	ssub.s32 @!p0 $0x0, s1;
	[sflag:s0] =	ssyncset.done @!p0 $0x0  }
0x84: {  	[sflag:s0] =	ssyncadd.s32 @!p0 s1  }
0x85: {  	[bflag:$0x3] =	sbarrier.arrive $0xFFFF  }
0x86: {  	_ =	shalt  }

</sc_bundles>
